<compile_context>
chip_gen: v7x
topology: tpu7x:2x2x1
jax: 0.10.2.dev20260603
libtpu: 0.0.44.dev20260713+nightly
codegen_flags: <defaults>
</compile_context>

<pallas_src>
import functools

import jax
import jax.numpy as jnp
from jax import lax
from jax.experimental import pallas as pl
from jax.experimental.pallas import tpu as pltpu
from jax.experimental.pallas import tpu_sc as plsc

BATCH = 32
SEQ = 576
N = BATCH * SEQ
D = 64
K = 1024
ROWS = 8
BLK = ROWS * SEQ
GRID = BATCH // ROWS

_NC, _NS = 2, 16
NW = _NC * _NS
CH = 96
NCHUNK = SEQ // CH


def _tc_body(x_ref, e_ref, idx_ref, avg_ref, loss_ref, perp_ref, tbl_ref,
             loss_acc):
    i = pl.program_id(0)
    e = e_ref[...]
    ee = jnp.sum(e * e, axis=0, keepdims=True)
    parts = []
    for r in range(ROWS):
        xtr = x_ref[r]
        xxr = lax.transpose(jnp.sum(xtr * xtr, axis=0, keepdims=True), (1, 0))
        s2r = lax.dot_general(2.0 * xtr, e, (((0,), (0,)), ((), ())),
                              preferred_element_type=jnp.float32)
        parts.append((xxr + ee) - s2r)
    dist = jnp.concatenate(parts, axis=0)

    @pl.when(i == 0)
    def _init():
        avg_ref[...] = jnp.zeros_like(avg_ref)
        loss_acc[0, 0] = 0.0
        tbl_ref[...] = jnp.swapaxes(e, 0, 1)

    mind = jnp.min(dist, axis=1)
    eqmask = dist == mind[:, None]
    eqf = eqmask.astype(jnp.float32)
    kiota = lax.broadcasted_iota(jnp.int32, (BLK, K), 1).astype(jnp.float32)
    idx = jnp.min(jnp.where(eqmask, kiota, float(K)),
                  axis=1).astype(jnp.int32)
    idx_ref[pl.ds(i * BLK, BLK)] = idx
    counts = jnp.dot(jnp.ones((1, BLK), jnp.float32), eqf,
                     preferred_element_type=jnp.float32)

    avg_ref[...] += counts
    loss_acc[0, 0] += jnp.sum(mind)

    @pl.when(i == GRID - 1)
    def _fin():
        avg = avg_ref[...] / float(N)
        avg_ref[...] = avg
        loss_ref[...] = jnp.full((1, 1), loss_acc[0, 0] / float(N * D),
                                 jnp.float32)
        ent = jnp.sum(avg * jnp.log(avg + 1e-10))
        perp_ref[...] = jnp.exp(jnp.full((1, 1), -ent, jnp.float32))


_tc_call = pl.pallas_call(
    _tc_body,
    grid=(GRID,),
    in_specs=[
        pl.BlockSpec((ROWS, D, SEQ), lambda i: (i, 0, 0)),
        pl.BlockSpec((D, K), lambda i: (0, 0)),
    ],
    out_specs=[
        pl.BlockSpec((N,), lambda i: (0,)),
        pl.BlockSpec((1, K), lambda i: (0, 0)),
        pl.BlockSpec((1, 1), lambda i: (0, 0)),
        pl.BlockSpec((1, 1), lambda i: (0, 0)),
        pl.BlockSpec((K, D), lambda i: (0, 0)),
    ],
    out_shape=[
        jax.ShapeDtypeStruct((N,), jnp.int32),
        jax.ShapeDtypeStruct((1, K), jnp.float32),
        jax.ShapeDtypeStruct((1, 1), jnp.float32),
        jax.ShapeDtypeStruct((1, 1), jnp.float32),
        jax.ShapeDtypeStruct((K, D), jnp.float32),
    ],
    scratch_shapes=[pltpu.SMEM((1, 1), jnp.float32)],
)


@functools.cache
def _make_sc_gather():
    @functools.partial(
        pl.kernel,
        mesh=plsc.VectorSubcoreMesh(core_axis_name="c", subcore_axis_name="s"),
        out_type=jax.ShapeDtypeStruct((BATCH, SEQ, D), jnp.float32),
        scratch_types=[
            pltpu.VMEM((SEQ,), jnp.int32),
            pltpu.VMEM((SEQ, D), jnp.float32),
            pltpu.SemaphoreType.DMA,
        ],
        compiler_params=pltpu.CompilerParams(use_tc_tiling_on_sc=False),
    )
    def _sc_gather(table_hbm, idx_hbm, out_hbm, idx_v, rows_v, sem):
        wid = lax.axis_index("s") * _NC + lax.axis_index("c")
        pltpu.sync_copy(idx_hbm.at[pl.ds(wid * SEQ, SEQ)], idx_v)
        copies = [
            pltpu.async_copy(table_hbm.at[idx_v.at[pl.ds(c * CH, CH)]],
                             rows_v.at[pl.ds(c * CH, CH)], sem)
            for c in range(NCHUNK)
        ]
        for cp in copies:
            cp.wait()
        pltpu.sync_copy(rows_v, out_hbm.at[wid])

    return _sc_gather


def kernel(x, embeddings):
    xt = lax.transpose(x, (0, 2, 1))
    enc_idx, avg2d, loss2d, perp2d, table = _tc_call(xt, embeddings)
    quantized = _make_sc_gather()(table, enc_idx)
    return (quantized, loss2d.reshape(()), enc_idx,
            avg2d.reshape(K), perp2d.reshape(()))

# --- scband reference (transcript-rebuilt; emitter-appended) ---
"""Pipeline reference for scband-quantizer-58935541236410 (READ-ONLY COPY).

The authoritative reference and input builder live on the scoring server;
editing this copy changes nothing except your own understanding.
"""

import jax, jax.numpy as jnp
import numpy as np


def setup_inputs(seed: int = 0) -> dict:
    key = jax.random.key(seed)
    k1, k2 = jax.random.split(key)
    x = jax.random.normal(k1, (32, 576, 64), dtype=jnp.float32)
    # variance_scaling(1.0, 'fan_in', 'uniform') for shape (embedding_dim, num_embeddings):
    # fan_in = embedding_dim = 64, limit = sqrt(3 * scale / fan_in)
    lim = float(np.sqrt(3.0 * 1.0 / 64.0))
    embeddings = jax.random.uniform(k2, (64, 1024), dtype=jnp.float32, minval=-lim, maxval=lim)
    return {"x": x, "embeddings": embeddings}


def reference(x, embeddings):
    e = embeddings  # (embedding_dim, num_embeddings)
    embedding_dim = e.shape[0]
    num_embeddings = e.shape[1]
    input_shape = x.shape[:-1]
    xf = x.reshape((-1, embedding_dim))
    dist = (jnp.sum(xf * xf, -1, keepdims=True)
            + jnp.sum(e * e, 0, keepdims=True)
            - 2 * xf @ e)
    enc_idx = jnp.argmax(-dist, 1)
    enc = jax.nn.one_hot(enc_idx, num_embeddings)
    quantized = e.T[enc_idx.reshape(input_shape)]  # gather from codebook
    xr = xf.reshape((*input_shape, embedding_dim))
    e_latent_loss = jnp.mean((jax.lax.stop_gradient(quantized) - xr) ** 2)
    q_latent_loss = jnp.mean((quantized - jax.lax.stop_gradient(xr)) ** 2)
    loss = q_latent_loss
    quantized = xr + jax.lax.stop_gradient(quantized - xr)
    avg_probs = jnp.mean(enc, 0)
    perplexity = jnp.exp(-jnp.sum(avg_probs * jnp.log(avg_probs + 1e-10)))
    return (quantized, loss, enc_idx, avg_probs, perplexity)

if __name__ == "__main__":
    import jax
    _d = setup_inputs()
    print(jax.jit(kernel)(*tuple(_d.values())))

</pallas_src>

<mosaic_0001>
#map = affine_map<(d0, d1) -> (0, 0)>
#map1 = affine_map<(d0, d1) -> (0)>
#map2 = affine_map<(d0, d1) -> (0, 0, 0)>
module attributes {stable_mosaic.version = 14 : i64} {
  func.func @_sc_gather(%arg0: i32, %arg1: i32, %arg2: memref<1024x64xf32, #tpu.memory_space<hbm>>, %arg3: memref<18432xi32, #tpu.memory_space<hbm>>, %arg4: memref<32x576x64xf32, #tpu.memory_space<hbm>>, %arg5: memref<576xi32, #tpu.memory_space<vmem>>, %arg6: memref<576x64xf32, #tpu.memory_space<vmem>>, %arg7: memref<!tpu.dma_semaphore, #tpu.memory_space<semaphore_mem>>) attributes {dimension_semantics = [#tpu.dimension_semantics<core_parallel>, #tpu.dimension_semantics<subcore_parallel>], iteration_bounds = array<i64: 2, 16>, scalar_prefetch = 0 : i64, scratch_operands = 3 : i64, tpu.core_type = #tpu.core_type<sc_vector_subcore>, window_params = [{transform_indices = #map}, {transform_indices = #map1}, {transform_indices = #map2}]} {
    %mul3A = arith.constant 2 : i32
    %mul3A_0 = arith.muli %arg1, %mul3A : i32
    %add3A = arith.addi %mul3A_0, %arg0 : i32
    %mul3A_1 = arith.constant 576 : i32
    %mul3A_2 = arith.muli %add3A, %mul3A_1 : i32
    "tpu.region"() ({
      %run_scoped3A = tpu.sem_alloc : memref<!tpu.dma_semaphore, #tpu.memory_space<semaphore_mem>>
      %dma_start3A_97 = tpu.memref_slice %arg3[%mul3A_2] : memref<18432xi32, #tpu.memory_space<hbm>> -> memref<576xi32, #tpu.memory_space<hbm>>
      %dma_start3A_98 = tpu.memref_slice %arg3[%mul3A_2] : memref<18432xi32, #tpu.memory_space<hbm>> -> memref<576xi32, #tpu.memory_space<hbm>>
      tpu.enqueue_dma source(%dma_start3A_98 : memref<576xi32, #tpu.memory_space<hbm>>) target(%arg5 : memref<576xi32, #tpu.memory_space<vmem>>) target_semaphore(%run_scoped3A : memref<!tpu.dma_semaphore, #tpu.memory_space<semaphore_mem>>)
      %dma_wait3A_99 = tpu.memref_slice %arg3[%mul3A_2] : memref<18432xi32, #tpu.memory_space<hbm>> -> memref<576xi32, #tpu.memory_space<hbm>>
      %dma_wait3A_100 = tpu.memref_slice %arg3[%mul3A_2] : memref<18432xi32, #tpu.memory_space<hbm>> -> memref<576xi32, #tpu.memory_space<hbm>>
      tpu.wait_dma2 semaphore(%run_scoped3A : memref<!tpu.dma_semaphore, #tpu.memory_space<semaphore_mem>>) src(%dma_wait3A_100 : memref<576xi32, #tpu.memory_space<hbm>>) dst(%arg5 : memref<576xi32, #tpu.memory_space<vmem>>)
      tpu.yield
    }) : () -> ()
    %dma_start3A = arith.constant 0 : i32
    %dma_start3A_3 = arith.constant 0 : i32
    %dma_start3A_4 = tpu.memref_slice %arg6[%dma_start3A, %dma_start3A_3] : memref<576x64xf32, #tpu.memory_space<vmem>> -> memref<96x64xf32, #tpu.memory_space<vmem>>
    %dma_start3A_5 = arith.constant 0 : i32
    %dma_start3A_6 = tpu.memref_slice %arg5[%dma_start3A_5] : memref<576xi32, #tpu.memory_space<vmem>> -> memref<96xi32, #tpu.memory_space<vmem>>
    %dma_start3A_7 = arith.constant 0 : i32
    %dma_start3A_8 = arith.constant 0 : i32
    %dma_start3A_9 = tpu.memref_slice %arg2[%dma_start3A_7, %dma_start3A_8] : memref<1024x64xf32, #tpu.memory_space<hbm>> -> memref<1024x64xf32, #tpu.memory_space<hbm>>
    tpu.enqueue_indirect_dma source(%dma_start3A_9 : memref<1024x64xf32, #tpu.memory_space<hbm>>) target(%dma_start3A_4 : memref<96x64xf32, #tpu.memory_space<vmem>>) offsets(%dma_start3A_6 : memref<96xi32, #tpu.memory_space<vmem>>) semaphore(%arg7 : memref<!tpu.dma_semaphore, #tpu.memory_space<semaphore_mem>>)
    %dma_start3A_10 = arith.constant 96 : i32
    %dma_start3A_11 = arith.constant 0 : i32
    %dma_start3A_12 = tpu.memref_slice %arg6[%dma_start3A_10, %dma_start3A_11] : memref<576x64xf32, #tpu.memory_space<vmem>> -> memref<96x64xf32, #tpu.memory_space<vmem>>
    %dma_start3A_13 = arith.constant 96 : i32
    %dma_start3A_14 = tpu.memref_slice %arg5[%dma_start3A_13] : memref<576xi32, #tpu.memory_space<vmem>> -> memref<96xi32, #tpu.memory_space<vmem>>
    %dma_start3A_15 = arith.constant 0 : i32
    %dma_start3A_16 = arith.constant 0 : i32
    %dma_start3A_17 = tpu.memref_slice %arg2[%dma_start3A_15, %dma_start3A_16] : memref<1024x64xf32, #tpu.memory_space<hbm>> -> memref<1024x64xf32, #tpu.memory_space<hbm>>
    tpu.enqueue_indirect_dma source(%dma_start3A_17 : memref<1024x64xf32, #tpu.memory_space<hbm>>) target(%dma_start3A_12 : memref<96x64xf32, #tpu.memory_space<vmem>>) offsets(%dma_start3A_14 : memref<96xi32, #tpu.memory_space<vmem>>) semaphore(%arg7 : memref<!tpu.dma_semaphore, #tpu.memory_space<semaphore_mem>>)
    %dma_start3A_18 = arith.constant 192 : i32
    %dma_start3A_19 = arith.constant 0 : i32
    %dma_start3A_20 = tpu.memref_slice %arg6[%dma_start3A_18, %dma_start3A_19] : memref<576x64xf32, #tpu.memory_space<vmem>> -> memref<96x64xf32, #tpu.memory_space<vmem>>
    %dma_start3A_21 = arith.constant 192 : i32
    %dma_start3A_22 = tpu.memref_slice %arg5[%dma_start3A_21] : memref<576xi32, #tpu.memory_space<vmem>> -> memref<96xi32, #tpu.memory_space<vmem>>
    %dma_start3A_23 = arith.constant 0 : i32
    %dma_start3A_24 = arith.constant 0 : i32
    %dma_start3A_25 = tpu.memref_slice %arg2[%dma_start3A_23, %dma_start3A_24] : memref<1024x64xf32, #tpu.memory_space<hbm>> -> memref<1024x64xf32, #tpu.memory_space<hbm>>
    tpu.enqueue_indirect_dma source(%dma_start3A_25 : memref<1024x64xf32, #tpu.memory_space<hbm>>) target(%dma_start3A_20 : memref<96x64xf32, #tpu.memory_space<vmem>>) offsets(%dma_start3A_22 : memref<96xi32, #tpu.memory_space<vmem>>) semaphore(%arg7 : memref<!tpu.dma_semaphore, #tpu.memory_space<semaphore_mem>>)
    %dma_start3A_26 = arith.constant 288 : i32
    %dma_start3A_27 = arith.constant 0 : i32
    %dma_start3A_28 = tpu.memref_slice %arg6[%dma_start3A_26, %dma_start3A_27] : memref<576x64xf32, #tpu.memory_space<vmem>> -> memref<96x64xf32, #tpu.memory_space<vmem>>
    %dma_start3A_29 = arith.constant 288 : i32
    %dma_start3A_30 = tpu.memref_slice %arg5[%dma_start3A_29] : memref<576xi32, #tpu.memory_space<vmem>> -> memref<96xi32, #tpu.memory_space<vmem>>
    %dma_start3A_31 = arith.constant 0 : i32
    %dma_start3A_32 = arith.constant 0 : i32
    %dma_start3A_33 = tpu.memref_slice %arg2[%dma_start3A_31, %dma_start3A_32] : memref<1024x64xf32, #tpu.memory_space<hbm>> -> memref<1024x64xf32, #tpu.memory_space<hbm>>
    tpu.enqueue_indirect_dma source(%dma_start3A_33 : memref<1024x64xf32, #tpu.memory_space<hbm>>) target(%dma_start3A_28 : memref<96x64xf32, #tpu.memory_space<vmem>>) offsets(%dma_start3A_30 : memref<96xi32, #tpu.memory_space<vmem>>) semaphore(%arg7 : memref<!tpu.dma_semaphore, #tpu.memory_space<semaphore_mem>>)
    %dma_start3A_34 = arith.constant 384 : i32
    %dma_start3A_35 = arith.constant 0 : i32
    %dma_start3A_36 = tpu.memref_slice %arg6[%dma_start3A_34, %dma_start3A_35] : memref<576x64xf32, #tpu.memory_space<vmem>> -> memref<96x64xf32, #tpu.memory_space<vmem>>
    %dma_start3A_37 = arith.constant 384 : i32
    %dma_start3A_38 = tpu.memref_slice %arg5[%dma_start3A_37] : memref<576xi32, #tpu.memory_space<vmem>> -> memref<96xi32, #tpu.memory_space<vmem>>
    %dma_start3A_39 = arith.constant 0 : i32
    %dma_start3A_40 = arith.constant 0 : i32
    %dma_start3A_41 = tpu.memref_slice %arg2[%dma_start3A_39, %dma_start3A_40] : memref<1024x64xf32, #tpu.memory_space<hbm>> -> memref<1024x64xf32, #tpu.memory_space<hbm>>
    tpu.enqueue_indirect_dma source(%dma_start3A_41 : memref<1024x64xf32, #tpu.memory_space<hbm>>) target(%dma_start3A_36 : memref<96x64xf32, #tpu.memory_space<vmem>>) offsets(%dma_start3A_38 : memref<96xi32, #tpu.memory_space<vmem>>) semaphore(%arg7 : memref<!tpu.dma_semaphore, #tpu.memory_space<semaphore_mem>>)
    %dma_start3A_42 = arith.constant 480 : i32
    %dma_start3A_43 = arith.constant 0 : i32
    %dma_start3A_44 = tpu.memref_slice %arg6[%dma_start3A_42, %dma_start3A_43] : memref<576x64xf32, #tpu.memory_space<vmem>> -> memref<96x64xf32, #tpu.memory_space<vmem>>
    %dma_start3A_45 = arith.constant 480 : i32
    %dma_start3A_46 = tpu.memref_slice %arg5[%dma_start3A_45] : memref<576xi32, #tpu.memory_space<vmem>> -> memref<96xi32, #tpu.memory_space<vmem>>
    %dma_start3A_47 = arith.constant 0 : i32
    %dma_start3A_48 = arith.constant 0 : i32
    %dma_start3A_49 = tpu.memref_slice %arg2[%dma_start3A_47, %dma_start3A_48] : memref<1024x64xf32, #tpu.memory_space<hbm>> -> memref<1024x64xf32, #tpu.memory_space<hbm>>
    tpu.enqueue_indirect_dma source(%dma_start3A_49 : memref<1024x64xf32, #tpu.memory_space<hbm>>) target(%dma_start3A_44 : memref<96x64xf32, #tpu.memory_space<vmem>>) offsets(%dma_start3A_46 : memref<96xi32, #tpu.memory_space<vmem>>) semaphore(%arg7 : memref<!tpu.dma_semaphore, #tpu.memory_space<semaphore_mem>>)
    %dma_wait3A = arith.constant 0 : i32
    %dma_wait3A_50 = arith.constant 0 : i32
    %dma_wait3A_51 = tpu.memref_slice %arg6[%dma_wait3A, %dma_wait3A_50] : memref<576x64xf32, #tpu.memory_space<vmem>> -> memref<96x64xf32, #tpu.memory_space<vmem>>
    %dma_wait3A_52 = arith.constant 0 : i32
    %dma_wait3A_53 = tpu.memref_slice %arg5[%dma_wait3A_52] : memref<576xi32, #tpu.memory_space<vmem>> -> memref<96xi32, #tpu.memory_space<vmem>>
    %dma_wait3A_54 = arith.constant 0 : i32
    %dma_wait3A_55 = arith.constant 0 : i32
    %dma_wait3A_56 = tpu.memref_slice %arg2[%dma_wait3A_54, %dma_wait3A_55] : memref<1024x64xf32, #tpu.memory_space<hbm>> -> memref<1024x64xf32, #tpu.memory_space<hbm>>
    tpu.wait_indirect_dma semaphore(%arg7 : memref<!tpu.dma_semaphore, #tpu.memory_space<semaphore_mem>>) src(%dma_wait3A_56 : memref<1024x64xf32, #tpu.memory_space<hbm>>) dst(%dma_wait3A_51 : memref<96x64xf32, #tpu.memory_space<vmem>>)
    %dma_wait3A_57 = arith.constant 96 : i32
    %dma_wait3A_58 = arith.constant 0 : i32
    %dma_wait3A_59 = tpu.memref_slice %arg6[%dma_wait3A_57, %dma_wait3A_58] : memref<576x64xf32, #tpu.memory_space<vmem>> -> memref<96x64xf32, #tpu.memory_space<vmem>>
    %dma_wait3A_60 = arith.constant 96 : i32
    %dma_wait3A_61 = tpu.memref_slice %arg5[%dma_wait3A_60] : memref<576xi32, #tpu.memory_space<vmem>> -> memref<96xi32, #tpu.memory_space<vmem>>
    %dma_wait3A_62 = arith.constant 0 : i32
    %dma_wait3A_63 = arith.constant 0 : i32
    %dma_wait3A_64 = tpu.memref_slice %arg2[%dma_wait3A_62, %dma_wait3A_63] : memref<1024x64xf32, #tpu.memory_space<hbm>> -> memref<1024x64xf32, #tpu.memory_space<hbm>>
    tpu.wait_indirect_dma semaphore(%arg7 : memref<!tpu.dma_semaphore, #tpu.memory_space<semaphore_mem>>) src(%dma_wait3A_64 : memref<1024x64xf32, #tpu.memory_space<hbm>>) dst(%dma_wait3A_59 : memref<96x64xf32, #tpu.memory_space<vmem>>)
    %dma_wait3A_65 = arith.constant 192 : i32
    %dma_wait3A_66 = arith.constant 0 : i32
    %dma_wait3A_67 = tpu.memref_slice %arg6[%dma_wait3A_65, %dma_wait3A_66] : memref<576x64xf32, #tpu.memory_space<vmem>> -> memref<96x64xf32, #tpu.memory_space<vmem>>
    %dma_wait3A_68 = arith.constant 192 : i32
    %dma_wait3A_69 = tpu.memref_slice %arg5[%dma_wait3A_68] : memref<576xi32, #tpu.memory_space<vmem>> -> memref<96xi32, #tpu.memory_space<vmem>>
    %dma_wait3A_70 = arith.constant 0 : i32
    %dma_wait3A_71 = arith.constant 0 : i32
    %dma_wait3A_72 = tpu.memref_slice %arg2[%dma_wait3A_70, %dma_wait3A_71] : memref<1024x64xf32, #tpu.memory_space<hbm>> -> memref<1024x64xf32, #tpu.memory_space<hbm>>
    tpu.wait_indirect_dma semaphore(%arg7 : memref<!tpu.dma_semaphore, #tpu.memory_space<semaphore_mem>>) src(%dma_wait3A_72 : memref<1024x64xf32, #tpu.memory_space<hbm>>) dst(%dma_wait3A_67 : memref<96x64xf32, #tpu.memory_space<vmem>>)
    %dma_wait3A_73 = arith.constant 288 : i32
    %dma_wait3A_74 = arith.constant 0 : i32
    %dma_wait3A_75 = tpu.memref_slice %arg6[%dma_wait3A_73, %dma_wait3A_74] : memref<576x64xf32, #tpu.memory_space<vmem>> -> memref<96x64xf32, #tpu.memory_space<vmem>>
    %dma_wait3A_76 = arith.constant 288 : i32
    %dma_wait3A_77 = tpu.memref_slice %arg5[%dma_wait3A_76] : memref<576xi32, #tpu.memory_space<vmem>> -> memref<96xi32, #tpu.memory_space<vmem>>
    %dma_wait3A_78 = arith.constant 0 : i32
    %dma_wait3A_79 = arith.constant 0 : i32
    %dma_wait3A_80 = tpu.memref_slice %arg2[%dma_wait3A_78, %dma_wait3A_79] : memref<1024x64xf32, #tpu.memory_space<hbm>> -> memref<1024x64xf32, #tpu.memory_space<hbm>>
    tpu.wait_indirect_dma semaphore(%arg7 : memref<!tpu.dma_semaphore, #tpu.memory_space<semaphore_mem>>) src(%dma_wait3A_80 : memref<1024x64xf32, #tpu.memory_space<hbm>>) dst(%dma_wait3A_75 : memref<96x64xf32, #tpu.memory_space<vmem>>)
    %dma_wait3A_81 = arith.constant 384 : i32
    %dma_wait3A_82 = arith.constant 0 : i32
    %dma_wait3A_83 = tpu.memref_slice %arg6[%dma_wait3A_81, %dma_wait3A_82] : memref<576x64xf32, #tpu.memory_space<vmem>> -> memref<96x64xf32, #tpu.memory_space<vmem>>
    %dma_wait3A_84 = arith.constant 384 : i32
    %dma_wait3A_85 = tpu.memref_slice %arg5[%dma_wait3A_84] : memref<576xi32, #tpu.memory_space<vmem>> -> memref<96xi32, #tpu.memory_space<vmem>>
    %dma_wait3A_86 = arith.constant 0 : i32
    %dma_wait3A_87 = arith.constant 0 : i32
    %dma_wait3A_88 = tpu.memref_slice %arg2[%dma_wait3A_86, %dma_wait3A_87] : memref<1024x64xf32, #tpu.memory_space<hbm>> -> memref<1024x64xf32, #tpu.memory_space<hbm>>
    tpu.wait_indirect_dma semaphore(%arg7 : memref<!tpu.dma_semaphore, #tpu.memory_space<semaphore_mem>>) src(%dma_wait3A_88 : memref<1024x64xf32, #tpu.memory_space<hbm>>) dst(%dma_wait3A_83 : memref<96x64xf32, #tpu.memory_space<vmem>>)
    %dma_wait3A_89 = arith.constant 480 : i32
    %dma_wait3A_90 = arith.constant 0 : i32
    %dma_wait3A_91 = tpu.memref_slice %arg6[%dma_wait3A_89, %dma_wait3A_90] : memref<576x64xf32, #tpu.memory_space<vmem>> -> memref<96x64xf32, #tpu.memory_space<vmem>>
    %dma_wait3A_92 = arith.constant 480 : i32
    %dma_wait3A_93 = tpu.memref_slice %arg5[%dma_wait3A_92] : memref<576xi32, #tpu.memory_space<vmem>> -> memref<96xi32, #tpu.memory_space<vmem>>
    %dma_wait3A_94 = arith.constant 0 : i32
    %dma_wait3A_95 = arith.constant 0 : i32
    %dma_wait3A_96 = tpu.memref_slice %arg2[%dma_wait3A_94, %dma_wait3A_95] : memref<1024x64xf32, #tpu.memory_space<hbm>> -> memref<1024x64xf32, #tpu.memory_space<hbm>>
    tpu.wait_indirect_dma semaphore(%arg7 : memref<!tpu.dma_semaphore, #tpu.memory_space<semaphore_mem>>) src(%dma_wait3A_96 : memref<1024x64xf32, #tpu.memory_space<hbm>>) dst(%dma_wait3A_91 : memref<96x64xf32, #tpu.memory_space<vmem>>)
    "tpu.region"() ({
      %run_scoped3A = tpu.sem_alloc : memref<!tpu.dma_semaphore, #tpu.memory_space<semaphore_mem>>
      %dma_start3A_97 = arith.constant 0 : i32
      %dma_start3A_98 = arith.constant 0 : i32
      %dma_start3A_99 = tpu.memref_slice %arg4[%add3A, %dma_start3A_97, %dma_start3A_98] : memref<32x576x64xf32, #tpu.memory_space<hbm>> -> memref<1x576x64xf32, #tpu.memory_space<hbm>>
      %dma_start3A_100 = tpu.memref_squeeze %dma_start3A_99 : memref<1x576x64xf32, #tpu.memory_space<hbm>> -> memref<576x64xf32, #tpu.memory_space<hbm>>
      %dma_start3A_101 = arith.constant 0 : i32
      %dma_start3A_102 = arith.constant 0 : i32
      %dma_start3A_103 = tpu.memref_slice %arg4[%add3A, %dma_start3A_101, %dma_start3A_102] : memref<32x576x64xf32, #tpu.memory_space<hbm>> -> memref<1x576x64xf32, #tpu.memory_space<hbm>>
      %dma_start3A_104 = tpu.memref_squeeze %dma_start3A_103 : memref<1x576x64xf32, #tpu.memory_space<hbm>> -> memref<576x64xf32, #tpu.memory_space<hbm>>
      tpu.enqueue_dma source(%arg6 : memref<576x64xf32, #tpu.memory_space<vmem>>) target(%dma_start3A_104 : memref<576x64xf32, #tpu.memory_space<hbm>>) target_semaphore(%run_scoped3A : memref<!tpu.dma_semaphore, #tpu.memory_space<semaphore_mem>>)
      %dma_wait3A_105 = arith.constant 0 : i32
      %dma_wait3A_106 = arith.constant 0 : i32
      %dma_wait3A_107 = tpu.memref_slice %arg4[%add3A, %dma_wait3A_105, %dma_wait3A_106] : memref<32x576x64xf32, #tpu.memory_space<hbm>> -> memref<1x576x64xf32, #tpu.memory_space<hbm>>
      %dma_wait3A_108 = tpu.memref_squeeze %dma_wait3A_107 : memref<1x576x64xf32, #tpu.memory_space<hbm>> -> memref<576x64xf32, #tpu.memory_space<hbm>>
      %dma_wait3A_109 = arith.constant 0 : i32
      %dma_wait3A_110 = arith.constant 0 : i32
      %dma_wait3A_111 = tpu.memref_slice %arg4[%add3A, %dma_wait3A_109, %dma_wait3A_110] : memref<32x576x64xf32, #tpu.memory_space<hbm>> -> memref<1x576x64xf32, #tpu.memory_space<hbm>>
      %dma_wait3A_112 = tpu.memref_squeeze %dma_wait3A_111 : memref<1x576x64xf32, #tpu.memory_space<hbm>> -> memref<576x64xf32, #tpu.memory_space<hbm>>
      tpu.wait_dma2 semaphore(%run_scoped3A : memref<!tpu.dma_semaphore, #tpu.memory_space<semaphore_mem>>) src(%arg6 : memref<576x64xf32, #tpu.memory_space<vmem>>) dst(%dma_wait3A_112 : memref<576x64xf32, #tpu.memory_space<hbm>>)
      tpu.yield
    }) : () -> ()
    return
  }
}

module attributes {stable_mosaic.version = 14 : i64} {
  func.func @_tc_body(%arg0: i32, %arg1: memref<8x64x576xf32, #tpu.memory_space<vmem>>, %arg2: memref<64x1024xf32, #tpu.memory_space<vmem>>, %arg3: memref<18432xi32, #tpu.memory_space<vmem>>, %arg4: memref<1x1024xf32, #tpu.memory_space<vmem>>, %arg5: memref<1x1xf32, #tpu.memory_space<vmem>>, %arg6: memref<1x1xf32, #tpu.memory_space<vmem>>, %arg7: memref<1024x64xf32, #tpu.memory_space<vmem>>, %arg8: memref<1x1xf32, #tpu.memory_space<smem>>) attributes {dimension_semantics = [#tpu.dimension_semantics<arbitrary>], iteration_bounds = array<i64: 4>, scalar_prefetch = 0 : i64, scratch_operands = 1 : i64, tpu.core_type = #tpu.core_type<tc>, window_params = [{transform_indices = @transform_0, window_bounds = array<i64: 8, 64, 576>}, {pipeline_mode = #tpu.pipeline_mode<synchronous>, transform_indices = @transform_1, window_bounds = array<i64: 64, 1024>}, {pipeline_mode = #tpu.pipeline_mode<synchronous>, transform_indices = @transform_2, window_bounds = array<i64: 18432>}, {pipeline_mode = #tpu.pipeline_mode<synchronous>, transform_indices = @transform_3, window_bounds = array<i64: 1, 1024>}, {pipeline_mode = #tpu.pipeline_mode<synchronous>, transform_indices = @transform_4, window_bounds = array<i64: 1, 1>}, {pipeline_mode = #tpu.pipeline_mode<synchronous>, transform_indices = @transform_5, window_bounds = array<i64: 1, 1>}, {pipeline_mode = #tpu.pipeline_mode<synchronous>, transform_indices = @transform_6, window_bounds = array<i64: 1024, 64>}]} {
    %get3A = arith.constant 0 : index
    %get3A_0 = arith.constant 0 : index
    %get3A_1 = vector.load %arg2[%get3A, %get3A_0] : memref<64x1024xf32, #tpu.memory_space<vmem>>, vector<64x1024xf32>
    %mul3A = arith.mulf %get3A_1, %get3A_1 : vector<64x1024xf32>
    %reduce_sum3A = arith.constant dense<0.000000e+00> : vector<1024xf32>
    %reduce_sum3A_2 = vector.multi_reduction <add>, %mul3A, %reduce_sum3A [0] : vector<64x1024xf32> to vector<1024xf32>
    %broadcast_in_dim3A = vector.shape_cast %reduce_sum3A_2 : vector<1024xf32> to vector<1x1024xf32>
    %get3A_3 = arith.constant 0 : index
    %get3A_4 = arith.constant 0 : index
    %get3A_5 = arith.constant 0 : index
    %get3A_6 = vector.load %arg1[%get3A_3, %get3A_4, %get3A_5] : memref<8x64x576xf32, #tpu.memory_space<vmem>>, vector<1x64x576xf32>
    %get3A_7 = vector.shape_cast %get3A_6 : vector<1x64x576xf32> to vector<64x576xf32>
    %mul3A_8 = arith.mulf %get3A_7, %get3A_7 : vector<64x576xf32>
    %reduce_sum3A_9 = arith.constant dense<0.000000e+00> : vector<576xf32>
    %reduce_sum3A_10 = vector.multi_reduction <add>, %mul3A_8, %reduce_sum3A_9 [0] : vector<64x576xf32> to vector<576xf32>
    %broadcast_in_dim3A_11 = vector.shape_cast %reduce_sum3A_10 : vector<576xf32> to vector<1x576xf32>
    %transpose3A = tpu.transpose %broadcast_in_dim3A_11, [1, 0] : vector<1x576xf32> -> vector<576x1xf32>
    %mul3A_12 = arith.constant 2.000000e+00 : f32
    %mul3A_13 = vector.broadcast %mul3A_12 : f32 to vector<64x576xf32>
    %mul3A_14 = arith.mulf %mul3A_13, %get3A_7 : vector<64x576xf32>
    %dot_general3A = arith.constant dense<0.000000e+00> : vector<576x1024xf32>
    %dot_general3A_15 = tpu.matmul %mul3A_14, %get3A_1, %dot_general3A {dimension_numbers = #tpu.dot_dimension_numbers<[0], [0], [1], [1], [0, 1, 1, 1], [], []>, transpose_lhs_hint = false} : vector<64x576xf32>, vector<64x1024xf32>, vector<576x1024xf32> -> vector<576x1024xf32>
    %add3A = vector.broadcast %transpose3A : vector<576x1xf32> to vector<576x1024xf32>
    %add3A_16 = vector.broadcast %broadcast_in_dim3A : vector<1x1024xf32> to vector<576x1024xf32>
    %add3A_17 = arith.addf %add3A, %add3A_16 : vector<576x1024xf32>
    %sub3A = arith.subf %add3A_17, %dot_general3A_15 : vector<576x1024xf32>
    %get3A_18 = arith.constant 1 : index
    %get3A_19 = arith.constant 0 : index
    %get3A_20 = arith.constant 0 : index
    %get3A_21 = vector.load %arg1[%get3A_18, %get3A_19, %get3A_20] : memref<8x64x576xf32, #tpu.memory_space<vmem>>, vector<1x64x576xf32>
    %get3A_22 = vector.shape_cast %get3A_21 : vector<1x64x576xf32> to vector<64x576xf32>
    %mul3A_23 = arith.mulf %get3A_22, %get3A_22 : vector<64x576xf32>
    %reduce_sum3A_24 = arith.constant dense<0.000000e+00> : vector<576xf32>
    %reduce_sum3A_25 = vector.multi_reduction <add>, %mul3A_23, %reduce_sum3A_24 [0] : vector<64x576xf32> to vector<576xf32>
    %broadcast_in_dim3A_26 = vector.shape_cast %reduce_sum3A_25 : vector<576xf32> to vector<1x576xf32>
    %transpose3A_27 = tpu.transpose %broadcast_in_dim3A_26, [1, 0] : vector<1x576xf32> -> vector<576x1xf32>
    %mul3A_28 = arith.constant 2.000000e+00 : f32
    %mul3A_29 = vector.broadcast %mul3A_28 : f32 to vector<64x576xf32>
    %mul3A_30 = arith.mulf %mul3A_29, %get3A_22 : vector<64x576xf32>
    %dot_general3A_31 = arith.constant dense<0.000000e+00> : vector<576x1024xf32>
    %dot_general3A_32 = tpu.matmul %mul3A_30, %get3A_1, %dot_general3A_31 {dimension_numbers = #tpu.dot_dimension_numbers<[0], [0], [1], [1], [0, 1, 1, 1], [], []>, transpose_lhs_hint = false} : vector<64x576xf32>, vector<64x1024xf32>, vector<576x1024xf32> -> vector<576x1024xf32>
    %add3A_33 = vector.broadcast %transpose3A_27 : vector<576x1xf32> to vector<576x1024xf32>
    %add3A_34 = vector.broadcast %broadcast_in_dim3A : vector<1x1024xf32> to vector<576x1024xf32>
    %add3A_35 = arith.addf %add3A_33, %add3A_34 : vector<576x1024xf32>
    %sub3A_36 = arith.subf %add3A_35, %dot_general3A_32 : vector<576x1024xf32>
    %get3A_37 = arith.constant 2 : index
    %get3A_38 = arith.constant 0 : index
    %get3A_39 = arith.constant 0 : index
    %get3A_40 = vector.load %arg1[%get3A_37, %get3A_38, %get3A_39] : memref<8x64x576xf32, #tpu.memory_space<vmem>>, vector<1x64x576xf32>
    %get3A_41 = vector.shape_cast %get3A_40 : vector<1x64x576xf32> to vector<64x576xf32>
    %mul3A_42 = arith.mulf %get3A_41, %get3A_41 : vector<64x576xf32>
    %reduce_sum3A_43 = arith.constant dense<0.000000e+00> : vector<576xf32>
    %reduce_sum3A_44 = vector.multi_reduction <add>, %mul3A_42, %reduce_sum3A_43 [0] : vector<64x576xf32> to vector<576xf32>
    %broadcast_in_dim3A_45 = vector.shape_cast %reduce_sum3A_44 : vector<576xf32> to vector<1x576xf32>
    %transpose3A_46 = tpu.transpose %broadcast_in_dim3A_45, [1, 0] : vector<1x576xf32> -> vector<576x1xf32>
    %mul3A_47 = arith.constant 2.000000e+00 : f32
    %mul3A_48 = vector.broadcast %mul3A_47 : f32 to vector<64x576xf32>
    %mul3A_49 = arith.mulf %mul3A_48, %get3A_41 : vector<64x576xf32>
    %dot_general3A_50 = arith.constant dense<0.000000e+00> : vector<576x1024xf32>
    %dot_general3A_51 = tpu.matmul %mul3A_49, %get3A_1, %dot_general3A_50 {dimension_numbers = #tpu.dot_dimension_numbers<[0], [0], [1], [1], [0, 1, 1, 1], [], []>, transpose_lhs_hint = false} : vector<64x576xf32>, vector<64x1024xf32>, vector<576x1024xf32> -> vector<576x1024xf32>
    %add3A_52 = vector.broadcast %transpose3A_46 : vector<576x1xf32> to vector<576x1024xf32>
    %add3A_53 = vector.broadcast %broadcast_in_dim3A : vector<1x1024xf32> to vector<576x1024xf32>
    %add3A_54 = arith.addf %add3A_52, %add3A_53 : vector<576x1024xf32>
    %sub3A_55 = arith.subf %add3A_54, %dot_general3A_51 : vector<576x1024xf32>
    %get3A_56 = arith.constant 3 : index
    %get3A_57 = arith.constant 0 : index
    %get3A_58 = arith.constant 0 : index
    %get3A_59 = vector.load %arg1[%get3A_56, %get3A_57, %get3A_58] : memref<8x64x576xf32, #tpu.memory_space<vmem>>, vector<1x64x576xf32>
    %get3A_60 = vector.shape_cast %get3A_59 : vector<1x64x576xf32> to vector<64x576xf32>
    %mul3A_61 = arith.mulf %get3A_60, %get3A_60 : vector<64x576xf32>
    %reduce_sum3A_62 = arith.constant dense<0.000000e+00> : vector<576xf32>
    %reduce_sum3A_63 = vector.multi_reduction <add>, %mul3A_61, %reduce_sum3A_62 [0] : vector<64x576xf32> to vector<576xf32>
    %broadcast_in_dim3A_64 = vector.shape_cast %reduce_sum3A_63 : vector<576xf32> to vector<1x576xf32>
    %transpose3A_65 = tpu.transpose %broadcast_in_dim3A_64, [1, 0] : vector<1x576xf32> -> vector<576x1xf32>
    %mul3A_66 = arith.constant 2.000000e+00 : f32
    %mul3A_67 = vector.broadcast %mul3A_66 : f32 to vector<64x576xf32>
    %mul3A_68 = arith.mulf %mul3A_67, %get3A_60 : vector<64x576xf32>
    %dot_general3A_69 = arith.constant dense<0.000000e+00> : vector<576x1024xf32>
    %dot_general3A_70 = tpu.matmul %mul3A_68, %get3A_1, %dot_general3A_69 {dimension_numbers = #tpu.dot_dimension_numbers<[0], [0], [1], [1], [0, 1, 1, 1], [], []>, transpose_lhs_hint = false} : vector<64x576xf32>, vector<64x1024xf32>, vector<576x1024xf32> -> vector<576x1024xf32>
    %add3A_71 = vector.broadcast %transpose3A_65 : vector<576x1xf32> to vector<576x1024xf32>
    %add3A_72 = vector.broadcast %broadcast_in_dim3A : vector<1x1024xf32> to vector<576x1024xf32>
    %add3A_73 = arith.addf %add3A_71, %add3A_72 : vector<576x1024xf32>
    %sub3A_74 = arith.subf %add3A_73, %dot_general3A_70 : vector<576x1024xf32>
    %get3A_75 = arith.constant 4 : index
    %get3A_76 = arith.constant 0 : index
    %get3A_77 = arith.constant 0 : index
    %get3A_78 = vector.load %arg1[%get3A_75, %get3A_76, %get3A_77] : memref<8x64x576xf32, #tpu.memory_space<vmem>>, vector<1x64x576xf32>
    %get3A_79 = vector.shape_cast %get3A_78 : vector<1x64x576xf32> to vector<64x576xf32>
    %mul3A_80 = arith.mulf %get3A_79, %get3A_79 : vector<64x576xf32>
    %reduce_sum3A_81 = arith.constant dense<0.000000e+00> : vector<576xf32>
    %reduce_sum3A_82 = vector.multi_reduction <add>, %mul3A_80, %reduce_sum3A_81 [0] : vector<64x576xf32> to vector<576xf32>
    %broadcast_in_dim3A_83 = vector.shape_cast %reduce_sum3A_82 : vector<576xf32> to vector<1x576xf32>
    %transpose3A_84 = tpu.transpose %broadcast_in_dim3A_83, [1, 0] : vector<1x576xf32> -> vector<576x1xf32>
    %mul3A_85 = arith.constant 2.000000e+00 : f32
    %mul3A_86 = vector.broadcast %mul3A_85 : f32 to vector<64x576xf32>
    %mul3A_87 = arith.mulf %mul3A_86, %get3A_79 : vector<64x576xf32>
    %dot_general3A_88 = arith.constant dense<0.000000e+00> : vector<576x1024xf32>
    %dot_general3A_89 = tpu.matmul %mul3A_87, %get3A_1, %dot_general3A_88 {dimension_numbers = #tpu.dot_dimension_numbers<[0], [0], [1], [1], [0, 1, 1, 1], [], []>, transpose_lhs_hint = false} : vector<64x576xf32>, vector<64x1024xf32>, vector<576x1024xf32> -> vector<576x1024xf32>
    %add3A_90 = vector.broadcast %transpose3A_84 : vector<576x1xf32> to vector<576x1024xf32>
    %add3A_91 = vector.broadcast %broadcast_in_dim3A : vector<1x1024xf32> to vector<576x1024xf32>
    %add3A_92 = arith.addf %add3A_90, %add3A_91 : vector<576x1024xf32>
    %sub3A_93 = arith.subf %add3A_92, %dot_general3A_89 : vector<576x1024xf32>
    %get3A_94 = arith.constant 5 : index
    %get3A_95 = arith.constant 0 : index
    %get3A_96 = arith.constant 0 : index
    %get3A_97 = vector.load %arg1[%get3A_94, %get3A_95, %get3A_96] : memref<8x64x576xf32, #tpu.memory_space<vmem>>, vector<1x64x576xf32>
    %get3A_98 = vector.shape_cast %get3A_97 : vector<1x64x576xf32> to vector<64x576xf32>
    %mul3A_99 = arith.mulf %get3A_98, %get3A_98 : vector<64x576xf32>
    %reduce_sum3A_100 = arith.constant dense<0.000000e+00> : vector<576xf32>
    %reduce_sum3A_101 = vector.multi_reduction <add>, %mul3A_99, %reduce_sum3A_100 [0] : vector<64x576xf32> to vector<576xf32>
    %broadcast_in_dim3A_102 = vector.shape_cast %reduce_sum3A_101 : vector<576xf32> to vector<1x576xf32>
    %transpose3A_103 = tpu.transpose %broadcast_in_dim3A_102, [1, 0] : vector<1x576xf32> -> vector<576x1xf32>
    %mul3A_104 = arith.constant 2.000000e+00 : f32
    %mul3A_105 = vector.broadcast %mul3A_104 : f32 to vector<64x576xf32>
    %mul3A_106 = arith.mulf %mul3A_105, %get3A_98 : vector<64x576xf32>
    %dot_general3A_107 = arith.constant dense<0.000000e+00> : vector<576x1024xf32>
    %dot_general3A_108 = tpu.matmul %mul3A_106, %get3A_1, %dot_general3A_107 {dimension_numbers = #tpu.dot_dimension_numbers<[0], [0], [1], [1], [0, 1, 1, 1], [], []>, transpose_lhs_hint = false} : vector<64x576xf32>, vector<64x1024xf32>, vector<576x1024xf32> -> vector<576x1024xf32>
    %add3A_109 = vector.broadcast %transpose3A_103 : vector<576x1xf32> to vector<576x1024xf32>
    %add3A_110 = vector.broadcast %broadcast_in_dim3A : vector<1x1024xf32> to vector<576x1024xf32>
    %add3A_111 = arith.addf %add3A_109, %add3A_110 : vector<576x1024xf32>
    %sub3A_112 = arith.subf %add3A_111, %dot_general3A_108 : vector<576x1024xf32>
    %get3A_113 = arith.constant 6 : index
    %get3A_114 = arith.constant 0 : index
    %get3A_115 = arith.constant 0 : index
    %get3A_116 = vector.load %arg1[%get3A_113, %get3A_114, %get3A_115] : memref<8x64x576xf32, #tpu.memory_space<vmem>>, vector<1x64x576xf32>
    %get3A_117 = vector.shape_cast %get3A_116 : vector<1x64x576xf32> to vector<64x576xf32>
    %mul3A_118 = arith.mulf %get3A_117, %get3A_117 : vector<64x576xf32>
    %reduce_sum3A_119 = arith.constant dense<0.000000e+00> : vector<576xf32>
    %reduce_sum3A_120 = vector.multi_reduction <add>, %mul3A_118, %reduce_sum3A_119 [0] : vector<64x576xf32> to vector<576xf32>
    %broadcast_in_dim3A_121 = vector.shape_cast %reduce_sum3A_120 : vector<576xf32> to vector<1x576xf32>
    %transpose3A_122 = tpu.transpose %broadcast_in_dim3A_121, [1, 0] : vector<1x576xf32> -> vector<576x1xf32>
    %mul3A_123 = arith.constant 2.000000e+00 : f32
    %mul3A_124 = vector.broadcast %mul3A_123 : f32 to vector<64x576xf32>
    %mul3A_125 = arith.mulf %mul3A_124, %get3A_117 : vector<64x576xf32>
    %dot_general3A_126 = arith.constant dense<0.000000e+00> : vector<576x1024xf32>
    %dot_general3A_127 = tpu.matmul %mul3A_125, %get3A_1, %dot_general3A_126 {dimension_numbers = #tpu.dot_dimension_numbers<[0], [0], [1], [1], [0, 1, 1, 1], [], []>, transpose_lhs_hint = false} : vector<64x576xf32>, vector<64x1024xf32>, vector<576x1024xf32> -> vector<576x1024xf32>
    %add3A_128 = vector.broadcast %transpose3A_122 : vector<576x1xf32> to vector<576x1024xf32>
    %add3A_129 = vector.broadcast %broadcast_in_dim3A : vector<1x1024xf32> to vector<576x1024xf32>
    %add3A_130 = arith.addf %add3A_128, %add3A_129 : vector<576x1024xf32>
    %sub3A_131 = arith.subf %add3A_130, %dot_general3A_127 : vector<576x1024xf32>
    %get3A_132 = arith.constant 7 : index
    %get3A_133 = arith.constant 0 : index
    %get3A_134 = arith.constant 0 : index
    %get3A_135 = vector.load %arg1[%get3A_132, %get3A_133, %get3A_134] : memref<8x64x576xf32, #tpu.memory_space<vmem>>, vector<1x64x576xf32>
    %get3A_136 = vector.shape_cast %get3A_135 : vector<1x64x576xf32> to vector<64x576xf32>
    %mul3A_137 = arith.mulf %get3A_136, %get3A_136 : vector<64x576xf32>
    %reduce_sum3A_138 = arith.constant dense<0.000000e+00> : vector<576xf32>
    %reduce_sum3A_139 = vector.multi_reduction <add>, %mul3A_137, %reduce_sum3A_138 [0] : vector<64x576xf32> to vector<576xf32>
    %broadcast_in_dim3A_140 = vector.shape_cast %reduce_sum3A_139 : vector<576xf32> to vector<1x576xf32>
    %transpose3A_141 = tpu.transpose %broadcast_in_dim3A_140, [1, 0] : vector<1x576xf32> -> vector<576x1xf32>
    %mul3A_142 = arith.constant 2.000000e+00 : f32
    %mul3A_143 = vector.broadcast %mul3A_142 : f32 to vector<64x576xf32>
    %mul3A_144 = arith.mulf %mul3A_143, %get3A_136 : vector<64x576xf32>
    %dot_general3A_145 = arith.constant dense<0.000000e+00> : vector<576x1024xf32>
    %dot_general3A_146 = tpu.matmul %mul3A_144, %get3A_1, %dot_general3A_145 {dimension_numbers = #tpu.dot_dimension_numbers<[0], [0], [1], [1], [0, 1, 1, 1], [], []>, transpose_lhs_hint = false} : vector<64x576xf32>, vector<64x1024xf32>, vector<576x1024xf32> -> vector<576x1024xf32>
    %add3A_147 = vector.broadcast %transpose3A_141 : vector<576x1xf32> to vector<576x1024xf32>
    %add3A_148 = vector.broadcast %broadcast_in_dim3A : vector<1x1024xf32> to vector<576x1024xf32>
    %add3A_149 = arith.addf %add3A_147, %add3A_148 : vector<576x1024xf32>
    %sub3A_150 = arith.subf %add3A_149, %dot_general3A_146 : vector<576x1024xf32>
    %concatenate3A = tpu.concatenate %sub3A, %sub3A_36, %sub3A_55, %sub3A_74, %sub3A_93, %sub3A_112, %sub3A_131, %sub3A_150 in 0 : vector<576x1024xf32>, vector<576x1024xf32>, vector<576x1024xf32>, vector<576x1024xf32>, vector<576x1024xf32>, vector<576x1024xf32>, vector<576x1024xf32>, vector<576x1024xf32> -> vector<4608x1024xf32>
    %eq3A = arith.constant 0 : i32
    %eq3A_151 = arith.cmpi eq, %arg0, %eq3A : i32
    %convert_element_type3A = arith.extui %eq3A_151 : i1 to i32
    %cond3A = arith.constant 0 : i32
    %cond3A_152 = arith.cmpi ne, %convert_element_type3A, %cond3A : i32
    scf.if %cond3A_152 {
      %broadcast_in_dim3A_195 = arith.constant 0.000000e+00 : f32
      %broadcast_in_dim3A_196 = vector.broadcast %broadcast_in_dim3A_195 : f32 to vector<1x1024xf32>
      %swap3A_197 = arith.constant 0 : index
      %swap3A_198 = arith.constant 0 : index
      %swap3A_199 = vector.load %arg4[%swap3A_197, %swap3A_198] : memref<1x1024xf32, #tpu.memory_space<vmem>>, vector<1x1024xf32>
      tpu.vector_store %arg4[%swap3A_197, %swap3A_198], %broadcast_in_dim3A_196 {strides = array<i32>} : memref<1x1024xf32, #tpu.memory_space<vmem>>, vector<1x1024xf32>,
      %swap3A_200 = arith.constant 0.000000e+00 : f32
      %swap3A_201 = arith.constant 0 : index
      %swap3A_202 = arith.constant 0 : index
      %swap3A_203 = memref.load %arg8[%swap3A_201, %swap3A_202] : memref<1x1xf32, #tpu.memory_space<smem>>
      memref.store %swap3A_200, %arg8[%swap3A_201, %swap3A_202] : memref<1x1xf32, #tpu.memory_space<smem>>
      %transpose3A_204 = tpu.transpose %get3A_1, [1, 0] : vector<64x1024xf32> -> vector<1024x64xf32>
      %swap3A_205 = arith.constant 0 : index
      %swap3A_206 = arith.constant 0 : index
      %swap3A_207 = vector.load %arg7[%swap3A_205, %swap3A_206] : memref<1024x64xf32, #tpu.memory_space<vmem>>, vector<1024x64xf32>
      tpu.vector_store %arg7[%swap3A_205, %swap3A_206], %transpose3A_204 {strides = array<i32>} : memref<1024x64xf32, #tpu.memory_space<vmem>>, vector<1024x64xf32>,
    } else {
    }
    %reduce_min3A = arith.constant dense<0x7F800000> : vector<4608xf32>
    %reduce_min3A_153 = vector.multi_reduction <minimumf>, %concatenate3A, %reduce_min3A [1] : vector<4608x1024xf32> to vector<4608xf32>
    %broadcast_in_dim3A_154 = vector.shape_cast %reduce_min3A_153 : vector<4608xf32> to vector<4608x1xf32>
    %eq3A_155 = vector.broadcast %broadcast_in_dim3A_154 : vector<4608x1xf32> to vector<4608x1024xf32>
    %eq3A_156 = arith.cmpf oeq, %concatenate3A, %eq3A_155 : vector<4608x1024xf32>
    %convert_element_type3A_157 = arith.extui %eq3A_156 : vector<4608x1024xi1> to vector<4608x1024xi32>
    %convert_element_type3A_158 = arith.sitofp %convert_element_type3A_157 : vector<4608x1024xi32> to vector<4608x1024xf32>
    %iota3A = tpu.iota {dimensions = array<i32: 1>} : vector<4608x1024xi32>
    %convert_element_type3A_159 = arith.sitofp %iota3A : vector<4608x1024xi32> to vector<4608x1024xf32>
    %jit3A = arith.constant 1.024000e+03 : f32
    %broadcast_in_dim3A_160 = vector.broadcast %jit3A : f32 to vector<4608x1024xf32>
    %select_n3A = arith.select %eq3A_156, %convert_element_type3A_159, %broadcast_in_dim3A_160 : vector<4608x1024xi1>, vector<4608x1024xf32>
    %reduce_min3A_161 = arith.constant dense<0x7F800000> : vector<4608xf32>
    %reduce_min3A_162 = vector.multi_reduction <minimumf>, %select_n3A, %reduce_min3A_161 [1] : vector<4608x1024xf32> to vector<4608xf32>
    %convert_element_type3A_163 = arith.fptosi %reduce_min3A_162 : vector<4608xf32> to vector<4608xi32>
    %mul3A_164 = arith.constant 4608 : i32
    %mul3A_165 = arith.muli %arg0, %mul3A_164 : i32
    %swap3A = arith.index_cast %mul3A_165 : i32 to index
    %swap3A_166 = vector.load %arg3[%swap3A] : memref<18432xi32, #tpu.memory_space<vmem>>, vector<4608xi32>
    tpu.vector_store %arg3[%swap3A], %convert_element_type3A_163 {strides = array<i32>} : memref<18432xi32, #tpu.memory_space<vmem>>, vector<4608xi32>,
    %broadcast_in_dim3A_167 = arith.constant 1.000000e+00 : f32
    %broadcast_in_dim3A_168 = vector.broadcast %broadcast_in_dim3A_167 : f32 to vector<1x4608xf32>
    %dot_general3A_169 = arith.constant dense<0.000000e+00> : vector<1x1024xf32>
    %dot_general3A_170 = tpu.matmul %broadcast_in_dim3A_168, %convert_element_type3A_158, %dot_general3A_169 {dimension_numbers = #tpu.dot_dimension_numbers<[1], [0], [0], [1], [0, 0, 1, 1], [], []>, transpose_lhs_hint = false} : vector<1x4608xf32>, vector<4608x1024xf32>, vector<1x1024xf32> -> vector<1x1024xf32>
    %get3A_171 = arith.constant 0 : index
    %get3A_172 = arith.constant 0 : index
    %get3A_173 = vector.load %arg4[%get3A_171, %get3A_172] : memref<1x1024xf32, #tpu.memory_space<vmem>>, vector<1x1024xf32>
    %add3A_174 = arith.addf %get3A_173, %dot_general3A_170 : vector<1x1024xf32>
    %swap3A_175 = arith.constant 0 : index
    %swap3A_176 = arith.constant 0 : index
    %swap3A_177 = vector.load %arg4[%swap3A_175, %swap3A_176] : memref<1x1024xf32, #tpu.memory_space<vmem>>, vector<1x1024xf32>
    tpu.vector_store %arg4[%swap3A_175, %swap3A_176], %add3A_174 {strides = array<i32>} : memref<1x1024xf32, #tpu.memory_space<vmem>>, vector<1x1024xf32>,
    %get3A_178 = arith.constant 0 : index
    %get3A_179 = arith.constant 0 : index
    %get3A_180 = memref.load %arg8[%get3A_178, %get3A_179] : memref<1x1xf32, #tpu.memory_space<smem>>
    %reduce_sum3A_181 = vector.shape_cast %reduce_min3A_153 : vector<4608xf32> to vector<1x4608xf32>
    %reduce_sum3A_182 = arith.constant dense<0.000000e+00> : vector<1xf32>
    %reduce_sum3A_183 = vector.multi_reduction <add>, %reduce_sum3A_181, %reduce_sum3A_182 [1] : vector<1x4608xf32> to vector<1xf32>
    %reduce_sum3A_184 = vector.shape_cast %reduce_sum3A_183 : vector<1xf32> to vector<1x1xf32>
    %reduce_sum3A_185 = vector.extract %reduce_sum3A_184[0, 0] : f32 from vector<1x1xf32>
    %add3A_186 = arith.addf %get3A_180, %reduce_sum3A_185 : f32
    %swap3A_187 = arith.constant 0 : index
    %swap3A_188 = arith.constant 0 : index
    %swap3A_189 = memref.load %arg8[%swap3A_187, %swap3A_188] : memref<1x1xf32, #tpu.memory_space<smem>>
    memref.store %add3A_186, %arg8[%swap3A_187, %swap3A_188] : memref<1x1xf32, #tpu.memory_space<smem>>
    %eq3A_190 = arith.constant 3 : i32
    %eq3A_191 = arith.cmpi eq, %arg0, %eq3A_190 : i32
    %convert_element_type3A_192 = arith.extui %eq3A_191 : i1 to i32
    %cond3A_193 = arith.constant 0 : i32
    %cond3A_194 = arith.cmpi ne, %convert_element_type3A_192, %cond3A_193 : i32
    scf.if %cond3A_194 {
      %get3A_195 = arith.constant 0 : index
      %get3A_196 = arith.constant 0 : index
      %get3A_197 = vector.load %arg4[%get3A_195, %get3A_196] : memref<1x1024xf32, #tpu.memory_space<vmem>>, vector<1x1024xf32>
      %div3A = arith.constant 1.843200e+04 : f32
      %div3A_198 = vector.broadcast %div3A : f32 to vector<1x1024xf32>
      %div3A_199 = arith.divf %get3A_197, %div3A_198 : vector<1x1024xf32>
      %swap3A_200 = arith.constant 0 : index
      %swap3A_201 = arith.constant 0 : index
      %swap3A_202 = vector.load %arg4[%swap3A_200, %swap3A_201] : memref<1x1024xf32, #tpu.memory_space<vmem>>, vector<1x1024xf32>
      tpu.vector_store %arg4[%swap3A_200, %swap3A_201], %div3A_199 {strides = array<i32>} : memref<1x1024xf32, #tpu.memory_space<vmem>>, vector<1x1024xf32>,
      %get3A_203 = arith.constant 0 : index
      %get3A_204 = arith.constant 0 : index
      %get3A_205 = memref.load %arg8[%get3A_203, %get3A_204] : memref<1x1xf32, #tpu.memory_space<smem>>
      %div3A_206 = arith.constant 0x49900000 : f32
      %div3A_207 = arith.divf %get3A_205, %div3A_206 : f32
      %broadcast_in_dim3A_208 = vector.broadcast %div3A_207 : f32 to vector<1x1xf32>
      %swap3A_209 = arith.constant 0 : index
      %swap3A_210 = arith.constant 0 : index
      %swap3A_211 = vector.load %arg5[%swap3A_209, %swap3A_210] : memref<1x1xf32, #tpu.memory_space<vmem>>, vector<1x1xf32>
      tpu.vector_store %arg5[%swap3A_209, %swap3A_210], %broadcast_in_dim3A_208 {strides = array<i32>} : memref<1x1xf32, #tpu.memory_space<vmem>>, vector<1x1xf32>,
      %add3A_212 = arith.constant 1.000000e-10 : f32
      %add3A_213 = vector.broadcast %add3A_212 : f32 to vector<1x1024xf32>
      %add3A_214 = arith.addf %div3A_199, %add3A_213 : vector<1x1024xf32>
      %log3A = math.log %add3A_214 : vector<1x1024xf32>
      %mul3A_215 = arith.mulf %div3A_199, %log3A : vector<1x1024xf32>
      %reduce_sum3A_216 = vector.shape_cast %mul3A_215 : vector<1x1024xf32> to vector<1x1x1024xf32>
      %reduce_sum3A_217 = arith.constant dense<0.000000e+00> : vector<1xf32>
      %reduce_sum3A_218 = vector.multi_reduction <add>, %reduce_sum3A_216, %reduce_sum3A_217 [1, 2] : vector<1x1x1024xf32> to vector<1xf32>
      %reduce_sum3A_219 = vector.shape_cast %reduce_sum3A_218 : vector<1xf32> to vector<1x1x1xf32>
      %reduce_sum3A_220 = vector.extract %reduce_sum3A_219[0, 0, 0] : f32 from vector<1x1x1xf32>
      %neg3A = arith.constant 0.000000e+00 : f32
      %neg3A_221 = arith.subf %neg3A, %reduce_sum3A_220 : f32
      %broadcast_in_dim3A_222 = vector.broadcast %neg3A_221 : f32 to vector<1x1xf32>
      %exp3A = math.exp %broadcast_in_dim3A_222 : vector<1x1xf32>
      %swap3A_223 = arith.constant 0 : index
      %swap3A_224 = arith.constant 0 : index
      %swap3A_225 = vector.load %arg6[%swap3A_223, %swap3A_224] : memref<1x1xf32, #tpu.memory_space<vmem>>, vector<1x1xf32>
      tpu.vector_store %arg6[%swap3A_223, %swap3A_224], %exp3A {strides = array<i32>} : memref<1x1xf32, #tpu.memory_space<vmem>>, vector<1x1xf32>,
    } else {
    }
    return
  }
  func.func @transform_0(%arg0: i32) -> (i32, i32, i32) {
    %c0_i32 = arith.constant 0 : i32
    %c0_i32_0 = arith.constant 0 : i32
    %c0_i32_1 = arith.constant 0 : i32
    return %arg0, %c0_i32, %c0_i32_0 : i32, i32, i32
  }
  func.func @transform_1(%arg0: i32) -> (i32, i32) {
    %c0_i32 = arith.constant 0 : i32
    %c0_i32_0 = arith.constant 0 : i32
    %c0_i32_1 = arith.constant 0 : i32
    return %c0_i32, %c0_i32_0 : i32, i32
  }
  func.func @transform_2(%arg0: i32) -> i32 {
    %c0_i32 = arith.constant 0 : i32
    %c0_i32_0 = arith.constant 0 : i32
    return %c0_i32 : i32
  }
  func.func @transform_3(%arg0: i32) -> (i32, i32) {
    %c0_i32 = arith.constant 0 : i32
    %c0_i32_0 = arith.constant 0 : i32
    %c0_i32_1 = arith.constant 0 : i32
    return %c0_i32, %c0_i32_0 : i32, i32
  }
  func.func @transform_4(%arg0: i32) -> (i32, i32) {
    %c0_i32 = arith.constant 0 : i32
    %c0_i32_0 = arith.constant 0 : i32
    %c0_i32_1 = arith.constant 0 : i32
    return %c0_i32, %c0_i32_0 : i32, i32
  }
  func.func @transform_5(%arg0: i32) -> (i32, i32) {
    %c0_i32 = arith.constant 0 : i32
    %c0_i32_0 = arith.constant 0 : i32
    %c0_i32_1 = arith.constant 0 : i32
    return %c0_i32, %c0_i32_0 : i32, i32
  }
  func.func @transform_6(%arg0: i32) -> (i32, i32) {
    %c0_i32 = arith.constant 0 : i32
    %c0_i32_0 = arith.constant 0 : i32
    %c0_i32_1 = arith.constant 0 : i32
    return %c0_i32, %c0_i32_0 : i32, i32
  }
}

</mosaic_0001>

<sc_bundles>
// kernel: kernel.4.cloned.1.call-start
scs
__scs_entry_jumppad:
0x0: {  	(pc) =	sbr.rel $0x88, $3  }
0x1: {  	(tag) =	ssettag $0x0;
	lr =	simm.s32 $0x1  }
0x2: {  	[smem:$0x3F9F] =	sst lr;
	_ =	strace $0xD0000000  }
0x3: {  	_ = 	snop  }
0x4: {  	_ = 	snop  }
0x5: {  	_ = 	snop  }
0x6: {  	_ = 	snop  }
0x7: {  	_ = 	snop  }
__scs_overlays_trampoline_lowered:
0x8: {  	[smem:$0x3FAE] =	sst s0  }
0x9: {  	[smem:$0x3FAF] =	sst s1  }
0xa: {  	[smem:$0x3FB0] =	sst s2  }
0xb: {  	[smem:$0x3FB1] =	sst s3  }
0xc: {  	[smem:$0x3FB2] =	sst s4  }
0xd: {  	[smem:$0x3FB3] =	sst s5  }
0xe: {  	[smem:$0x3FB4] =	sst s6  }
0xf: {  	[smem:$0x3FB5] =	sst s7  }
0x10: {  	[smem:$0x3FB6] =	sst s8  }
0x11: {  	[smem:$0x3FB7] =	sst s9;
	s0 =	simm.s32 @!p0 $0x0  }
0x12: {  	s1 =	sld [smem:$0x3F9D];
	s0 =	simm.s32 @p0 $0x1  }
0x13: {  	[smem:$0x3FB8] =	sst s0;
	s0 =	simm.s32 @!p1 $0x0  }
0x14: {  	s2 =	sld [smem:$0x3F9C];
	s0 =	simm.s32 @p1 $0x1  }
0x15: {  	[smem:$0x3FB9] =	sst s0;
	s0 =	simm.s32 @!p2 $0x0  }
0x16: {  	s3 =	sld [smem:$0x3FDB];
	s0 =	simm.s32 @p2 $0x1  }
0x17: {  	s4 =	simm.s32 $0x1BF5;
	[smem:$0x3FBB] =	sst s0  }
0x18: {  	s0 =	sld [smem:$0x3F9E];
	_ =	swait.ge [sflag:s4], $0x0  }
0x19: {  	s7 =	sld [smem:$0x3F9F]  }
0x1a: {  	s8 =	sadd.s32 $0xFFFFE003, lr  }
0x1b: {  	s9 =	sadd.s32 $0xFFFFFEF7, lr;
	s5 =	simm.s32 $0xFFFFFFFF;
	p2 =	slt.u32 s8, $0xFFFFF086  }
0x1c: {  	p1 =	slt.u32 s9, $0xF7A;
	s5 =	simm.s32 @!p2 $0x0  }
0x1d: {  	s5 =	simm.s32 @p1 $0x1;
	p0 =	seq.s32 s7, s2  }
0x1e: {  	s7 =	smul.u32 @!p0 $0xF7A, s2;
	p2 =	seq.s32 @!p0 s5, $0x0  }
0x1f: {  	s9 =	smul.u32 $0xF7A, s1;
	s8 =	simm.s32 @!p0 $0x1BF5;
	p2 =	por !p2, p0  }
0x20: {  	[sflag:s8] =	ssyncset.s32 @!p0 $0xFFFFF086;
	s6 =	sadd.s32 @!p0 s3, s7;
	s7 =	simm.s32 @!p0 $0x108  }
0x21: {  	s3 =	sadd.s32 s3, s9;
	s6 =	sadd.s32 @!p0 $0x88, s6;
	s7 =	simm.s32 @p2 $0x1082  }
0x22: {  	[simem:s7], [sflag:s8] =	dma.local @!p0 [hbm:s6], $0xF7A  }
0x23: {  	s9 =	sor.u32 $0xD0000000, s2;
	s6 =	simm.s32 $0x108;
	_ =	swait.ge @!p0 [sflag:s8], $0x0  }
0x24: {  	s3 =	sadd.s32 $0x88, s3;
	s6 =	simm.s32 @!p1 $0x1082;
	[sflag:s4] =	ssyncset.s32 $0xFFFFF086  }
0x25: {  	[simem:s6], [sflag:s4] =	dma.local [hbm:s3], $0xF7A  }
0x26: {  	[smem:$0x3F9F] =	sst s1;
	(tag) =	ssettag s2;
	_ =	strace s9  }
0x27: {  	s1 =	sld [smem:$0x3FAF]  }
0x28: {  	s2 =	sld [smem:$0x3FB0]  }
0x29: {  	s4 =	sld [smem:$0x3FB2]  }
0x2a: {  	p0 =	seq.s32 s5, $0x0;
	s5 =	sld [smem:$0x3FB3]  }
0x2b: {  	s6 =	sld [smem:$0x3FB4]  }
0x2c: {  	s7 =	sld [smem:$0x3FB5]  }
0x2d: {  	s3 =	simm.s32 $0x108;
	s8 =	sld [smem:$0x3FB6]  }
0x2e: {  	s3 =	simm.s32 @!p0 $0x1082;
	s9 =	sld [smem:$0x3FB7]  }
0x2f: {  	lr =	sadd.s32 s0, s3;
	s0 =	sld [smem:$0x3FAE]  }
0x30: {  	s3 =	sld [smem:$0x3FB1]  }
0x31: {  	[smem:$0x3FBA] =	sst s10  }
0x32: {  	s10 =	sld [smem:$0x3FB8];
	_ =	sdelay $0x3  }
0x33: {  	p0 =	seq.s32 s10, $0x1;
	s10 =	sld [smem:$0x3FBA];
	_ =	sdelay $0x3  }
0x34: {  	[smem:$0x3FBA] =	sst s10  }
0x35: {  	s10 =	sld [smem:$0x3FB9];
	_ =	sdelay $0x3  }
0x36: {  	p1 =	seq.s32 s10, $0x1;
	s10 =	sld [smem:$0x3FBA];
	_ =	sdelay $0x3  }
0x37: {  	[smem:$0x3FBA] =	sst s10  }
0x38: {  	s10 =	sld [smem:$0x3FBB]  }
0x39: {  	_ = 	snop;
	(pc) =	sbr.ind lr, $3  }
0x3a: {  	_ = 	snop  }
0x3b: {  	_ = 	snop  }
0x3c: {  	p2 =	seq.s32 s10, $0x1;
	s10 =	sld [smem:$0x3FBA]  }
0x3d: {  	_ =	shalt  }
0x3e: {  	_ =	shalt  }
0x3f: {  	_ =	shalt  }
0x40: {  	_ =	shalt  }
0x41: {  	_ =	shalt  }
0x42: {  	_ =	shalt  }
0x43: {  	_ =	shalt  }
0x44: {  	_ =	shalt  }
0x45: {  	_ =	shalt  }
0x46: {  	_ =	shalt  }
0x47: {  	_ =	shalt  }
0x48: {  	_ =	shalt  }
0x49: {  	_ =	shalt  }
0x4a: {  	_ =	shalt  }
0x4b: {  	_ =	shalt  }
0x4c: {  	_ =	shalt  }
0x4d: {  	_ =	shalt  }
0x4e: {  	_ =	shalt  }
0x4f: {  	_ =	shalt  }
0x50: {  	_ =	shalt  }
0x51: {  	_ =	shalt  }
0x52: {  	_ =	shalt  }
0x53: {  	_ =	shalt  }
0x54: {  	_ =	shalt  }
0x55: {  	_ =	shalt  }
0x56: {  	_ =	shalt  }
0x57: {  	_ =	shalt  }
0x58: {  	_ =	shalt  }
0x59: {  	_ =	shalt  }
0x5a: {  	_ =	shalt  }
0x5b: {  	_ =	shalt  }
0x5c: {  	_ =	shalt  }
0x5d: {  	_ =	shalt  }
0x5e: {  	_ =	shalt  }
0x5f: {  	_ =	shalt  }
0x60: {  	_ =	shalt  }
0x61: {  	_ =	shalt  }
0x62: {  	_ =	shalt  }
0x63: {  	_ =	shalt  }
0x64: {  	_ =	shalt  }
0x65: {  	_ =	shalt  }
0x66: {  	_ =	shalt  }
0x67: {  	_ =	shalt  }
0x68: {  	_ =	shalt  }
0x69: {  	_ =	shalt  }
0x6a: {  	_ =	shalt  }
0x6b: {  	_ =	shalt  }
0x6c: {  	_ =	shalt  }
0x6d: {  	_ =	shalt  }
0x6e: {  	_ =	shalt  }
0x6f: {  	_ =	shalt  }
0x70: {  	_ =	shalt  }
0x71: {  	_ =	shalt  }
0x72: {  	_ =	shalt  }
0x73: {  	_ =	shalt  }
0x74: {  	_ =	shalt  }
0x75: {  	_ =	shalt  }
0x76: {  	_ =	shalt  }
0x77: {  	_ =	shalt  }
0x78: {  	_ =	shalt  }
0x79: {  	_ =	shalt  }
0x7a: {  	_ =	shalt  }
0x7b: {  	_ =	shalt  }
0x7c: {  	_ =	shalt  }
0x7d: {  	_ =	shalt  }
0x7e: {  	_ =	shalt  }
0x7f: {  	_ =	shalt  }
0x80: {  	_ =	shalt  }
0x81: {  	_ =	shalt  }
0x82: {  	_ =	shalt  }
0x83: {  	_ =	shalt  }
0x84: {  	_ =	shalt  }
0x85: {  	_ =	shalt  }
0x86: {  	_ =	shalt  }
0x87: {  	_ =	shalt  }
.Lfunc_end0:
.L_simem_size_0:
called_computation_lowered:
.L_overlay_start_0:
0x88: {  	s2 =	sld [smem:$0x3FD9]  }
0x89: {  	s3 =	sld [smem:$0x3FFE];
	_ =	sdelay $0x1  }
0x8a: {  	s1 =	srdreg.scid  }
0x8b: {  	s0 =	sand.u32 $0x1, s1  }
0x8c: {  	s14 =	sshll.u32 s0, $0xA;
	s2 =	sadd.s32 s3, s2  }
0x8d: {  	s2 =	sadd.s32 s2, s14  }
0x8e: {  	[smem:$0x3FC6] =	sst s2  }
0x8f: {  	_ = 	snop  }
0x90: {  	s2 =	sld [smem:$0x3FD0];
	_ =	sdelay $0x2  }
0x91: {  	s15 =	simm.s32 $0xA;
	s4 =	simm.s32 $0x10  }
0x92: {  	[smem:s4], [sflag:s15] =	dma.local [hbm:s2], $0x1  }
0x93: {  	_ =	swait.eq [sflag:s15], $0x1  }
0x94: {  	[sflag:s15] =	ssyncset.done $0x0  }
0x95: {  	s16 =	sld [smem:$0x10];
	[sflag:s15] =	ssyncadd.s32 $0xFFFFFFFF  }
0x96: {  	s17 =	sld [smem:$0x12];
	(tm) =	ssettm $0x1  }
0x97: {  	s18 =	sld [smem:$0x3FFB];
	_ =	sdelay $0x3  }
0x98: {  	_ =	strace s18  }
0x99: {  	s4 =	sld [smem:$0x3FFC];
	_ =	sdelay $0x3  }
0x9a: {  	_ =	strace s4  }
0x9b: {  	s4 =	sld [smem:$0x3FFD];
	_ =	sdelay $0x3  }
0x9c: {  	_ =	strace s4  }
0x9d: {  	_ =	strace $0x8FFFFFFF  }
0x9e: {  	s19 =	sld [smem:$0x3FDB];
	_ =	sdelay $0x1  }
0x9f: {  	s5 =	simm.s32 $_scs_section_size  }
0xa0: {  	s6 =	simm.s32 $_size__tile_overlayer_lowered;
	s7 =	simm.s32 $_tile_overlayer_lowered  }
0xa1: {  	s22 =	simm.s32 $0x1BFF;
	s21 =	sshll.u32 s7, $0x1;
	s4 =	sadd.s32 s5, s19  }
0xa2: {  	s8 =	simm.s32 $0x0;
	s20 =	sshll.u32 s6, $0x1;
	s6 =	sadd.s32 s21, s4  }
0xa3: {  	[timem:s8], [sflag:s22] =	dma.local [hbm:s6], s20  }
0xa4: {  	_ =	swait.ge [sflag:s22], s20  }
0xa5: {  	s5 =	ssub.s32 $0x0, s20;
	[sflag:s22] =	ssyncset.done $0x0  }
0xa6: {  	[sflag:s22] =	ssyncadd.s32 s5;
	_ =	sdelay $0x1  }
0xa7: {  	s23 =	simm.s32 $0x1B8B  }
0xa8: {  	_ =	swait.ge [sflag:s23], $0x1  }
0xa9: {  	[sflag:s23] =	ssyncset.done $0x0  }
0xaa: {  	s25 =	simm.s32 $0x1B8E;
	s24 =	sld [smem:$0x3FFE];
	[sflag:s23] =	ssyncadd.s32 $0xFFFFFFFF  }
0xab: {  	s26 =	simm.s32 $execute0_lowered;
	[smem:$0x3FD2] =	sst s25  }
0xac: {  	s6 =	sshll.u32 s26, $0x1;
	_ =	strace $0x80000046;
	[dreg:$0x1] =	wrdreg $0xFFFFFFFF  }
0xad: {  	s28 =	simm.s32 $_size_execute0_lowered;
	s4 =	sadd.s32 s4, s6;
	[dreg:$0x0] =	wrdreg $0x0  }
0xae: {  	s6 =	sshll.u32 s28, $0x1;
	[dreg:$0x2] =	wrdreg s4  }
0xaf: {  	[dreg:$0x3] =	wrdreg s6  }
0xb0: {  	[dreg:$0x4] =	wrdreg $0xC0  }
0xb1: {  	_ =	task [dreg:s8], $0x5FFFF  }
0xb2: {  	[dreg:$0x1] =	wrdreg $0xFFFFFFFF  }
0xb3: {  	[dreg:$0x0] =	wrdreg $0x60  }
0xb4: {  	[dreg:$0x2] =	wrdreg s24  }
0xb5: {  	[dreg:$0x3] =	wrdreg s17  }
0xb6: {  	[dreg:$0x4] =	wrdreg s16  }
0xb7: {  	[dreg:$0x5] =	wrdreg $0x9  }
0xb8: {  	_ =	task.clear_ibuf [dreg:s8], $0x6FFFF;
	_ =	strace $0x90000046  }
0xb9: {  	s29 =	simm.s32 $0x9;
	_ =	strace $0x80000048  }
0xba: {  	_ =	swait.ge [sflag:s29], $0x1  }
0xbb: {  	[sflag:s29] =	ssyncadd.s32 $0xFFFFFFFF  }
0xbc: {  	_ =	strace $0x90000048  }
0xbd: {  	_ =	sfence  }
0xbe: {  	s30 =	sld [smem:$0x0];
	_ =	sdelay $0x2  }
0xbf: {  	s31 =	sshll.u32 s1, $0xD;
	s1 =	sshrl.u32 s1, $0x2  }
0xc0: {  	s3 =	sand.u32 $0x4000, s31;
	s1 =	sadd.s32 s1, s30  }
0xc1: {  	s0 =	sor.u32 s3, s0;
	s1 =	sshll.u32 s1, $0x11  }
0xc2: {  	s0 =	sor.u32 s1, s0  }
0xc3: {  	s0 =	sadd.s32 $0x8F2B, s0  }
0xc4: {  	[sflag:s0] =	ssyncadd.remote.s32 $0x1  }
0xc5: {  	_ =	sfence.sel $0xFFFF  }
0xc6: {  	[dreg:$0x0] =	wrdreg $0xFFFFFFFF;
	(pc) =	sbr.abs _section_cstart, $3  }
0xc7: {  	[dreg:$0x1] =	wrdreg $0xFFFFFFFF  }
0xc8: {  	_ =	task.clear_ibuf [dreg:s8], $0x2FFFF;
	_ =	strace $0x9FFFFFFF  }
0xc9: {  	(tm) =	ssettm $0x7FFFFFFF  }
tec
execute0_lowered:
.L_overlay_start_1:
0x0: {  	(tag) =	ssettag $0x1  }
0x1: {  	s5 =	rddreg [dreg:$0x0]  }
0x2: {  	s1 =	srdreg.scid;
	s0 =	stileid.u32  }
0x3: {  	s3 =	rddreg [dreg:$0x1];
	s18 =	sand.u32 $0x1, s1;
	s30 =	sshll.u32 s0, $0x1  }
0x4: {  	s19 =	rddreg [dreg:$0x2];
	s20 =	sor.u32 s18, s30  }
0x5: {  	s2 =	simm.s32 $0x0;
	s1 =	rddreg [dreg:$0x3];
	s4 =	smul.u32 $0x48, s20  }
0x6: {  	[smem:$0x7FF] =	sst s2  }
0x7: {  	_ =	strace $0x80000047;
	s4 =	sadd.s32 s3, s4;
	s3 =	simm.s32 $0x2  }
0x8: {  	[tilespmem:s2], [sflag:$0x2] =	stream.linear.gather [hbm4b:s4+s2], $0x240, $0x38;
	[tilespmem:$0x9240] =	vst v63  }
0x9: {  	_ =	swait.ge [sflag:s3], $0x240  }
0xa: {  	s6 =	simm.s32 $0x60;
	[sflag:s3] =	ssyncset.done $0x0  }
0xb: {  	s7 =	simm.s32 $0x240;
	s5 =	sadd.s32 $0xA00, s5;
	[sflag:s3] =	ssyncadd.s32 $0xFFFFFDC0  }
0xc: {  	[tilespmem:s7], [sflag:$0x1] =	stream.indirect.gather [hbm4b:s5+s6], $0x40, s2, s6, $0xb8;
	[tilespmem:$0x9240] =	vst v63  }
0xd: {  	s8 =	simm.s32 $0x1A40  }
0xe: {  	[tilespmem:s8], [sflag:$0x1] =	stream.indirect.gather [hbm4b:s5+s6], $0x40, s6, s6, $0xb8;
	[tilespmem:$0x9240] =	vst v63  }
0xf: {  	s9 =	simm.s32 $0xC0;
	s10 =	simm.s32 $0x3240  }
0x10: {  	[tilespmem:s10], [sflag:$0x1] =	stream.indirect.gather [hbm4b:s5+s6], $0x40, s9, s6, $0xb8;
	[tilespmem:$0x9240] =	vst v63  }
0x11: {  	s11 =	simm.s32 $0x120;
	s12 =	simm.s32 $0x4A40  }
0x12: {  	[tilespmem:s12], [sflag:$0x1] =	stream.indirect.gather [hbm4b:s5+s6], $0x40, s11, s6, $0xb8;
	[tilespmem:$0x9240] =	vst v63  }
0x13: {  	s13 =	simm.s32 $0x180;
	s14 =	simm.s32 $0x6240  }
0x14: {  	[tilespmem:s14], [sflag:$0x1] =	stream.indirect.gather [hbm4b:s5+s6], $0x40, s13, s6, $0xb8;
	[tilespmem:$0x9240] =	vst v63  }
0x15: {  	s15 =	simm.s32 $0x1E0;
	s16 =	simm.s32 $0x7A40;
	s17 =	simm.s32 $0x1  }
0x16: {  	[tilespmem:s16], [sflag:$0x1] =	stream.indirect.gather [hbm4b:s5+s6], $0x40, s15, s6, $0xb8;
	[tilespmem:$0x9240] =	vst v63  }
0x17: {  	_ =	swait.ge [sflag:s17], $0x1800  }
0x18: {  	[sflag:s17] =	ssyncset.done $0x0  }
0x19: {  	[sflag:s17] =	ssyncadd.s32 $0xFFFFE800  }
0x1a: {  	_ =	swait.ge [sflag:s17], $0x1800  }
0x1b: {  	[sflag:s17] =	ssyncset.done $0x0  }
0x1c: {  	[sflag:s17] =	ssyncadd.s32 $0xFFFFE800  }
0x1d: {  	_ =	swait.ge [sflag:s17], $0x1800  }
0x1e: {  	[sflag:s17] =	ssyncset.done $0x0  }
0x1f: {  	[sflag:s17] =	ssyncadd.s32 $0xFFFFE800  }
0x20: {  	_ =	swait.ge [sflag:s17], $0x1800  }
0x21: {  	[sflag:s17] =	ssyncset.done $0x0  }
0x22: {  	s18 =	ssub.s32 $0x2, s18;
	[sflag:s17] =	ssyncadd.s32 $0xFFFFE800  }
0x23: {  	s21 =	sshrl.u32 s18, $0x1;
	_ =	swait.ge [sflag:s17], $0x1800  }
0x24: {  	s21 =	ssub.s32 s18, s21;
	[sflag:s17] =	ssyncset.done $0x0  }
0x25: {  	s31 =	smax.u32 s21, $0x1;
	[sflag:s17] =	ssyncadd.s32 $0xFFFFE800  }
0x26: {  	s20 =	smul.u32 $0x1200, s20;
	p0 =	sne.s32 s31, $0x1;
	_ =	swait.ge [sflag:s17], $0x1800  }
.Ltmp0:
0x27: {  	[sflag:s17] =	ssyncset.done $0x0;
	(pc) =	sbr.rel @!p0 .LBB2_2-.Ltmp0, $4  }
0x28: {  	s18 =	sadd.s32 s19, s20;
	[sflag:s17] =	ssyncadd.s32 $0xFFFFE800  }
0x29: {  	[hbm4b:s18+s2] =	stream.linear.scatter [tilespmem:s7], [sflag:$0x2], $0x9000, $0x38;
	[tilespmem:$0x9240] =	vst v63  }
0x2a: {  	_ =	swait.ge [sflag:s3], $0x9000  }
0x2b: {  	s19 =	sadd.s32 $0xFFFFFFFF, s31;
	[sflag:s3] =	ssyncset.done $0x0  }
.LBB2_1:
0x2c: {  	p0 =	sne.s32 s19, $0x1;
	s19 =	sadd.s32 $0xFFFFFFFF, s19;
	[sflag:s3] =	ssyncadd.s32 $0xFFFF7000  }
0x2d: {  	[tilespmem:s2], [sflag:$0x2] =	stream.linear.gather [hbm4b:s4+s2], $0x240, $0x38;
	[tilespmem:$0x9240] =	vst v63  }
0x2e: {  	_ =	swait.ge [sflag:s3], $0x240  }
0x2f: {  	[sflag:s3] =	ssyncset.done $0x0  }
0x30: {  	[sflag:s3] =	ssyncadd.s32 $0xFFFFFDC0  }
0x31: {  	[tilespmem:s7], [sflag:$0x1] =	stream.indirect.gather [hbm4b:s5+s6], $0x40, s2, s6, $0xb8;
	[tilespmem:$0x9240] =	vst v63  }
0x32: {  	_ = 	snop  }
0x33: {  	[tilespmem:s8], [sflag:$0x1] =	stream.indirect.gather [hbm4b:s5+s6], $0x40, s6, s6, $0xb8;
	[tilespmem:$0x9240] =	vst v63  }
0x34: {  	_ = 	snop  }
0x35: {  	[tilespmem:s10], [sflag:$0x1] =	stream.indirect.gather [hbm4b:s5+s6], $0x40, s9, s6, $0xb8;
	[tilespmem:$0x9240] =	vst v63  }
0x36: {  	_ = 	snop  }
0x37: {  	[tilespmem:s12], [sflag:$0x1] =	stream.indirect.gather [hbm4b:s5+s6], $0x40, s11, s6, $0xb8;
	[tilespmem:$0x9240] =	vst v63  }
0x38: {  	_ = 	snop  }
0x39: {  	[tilespmem:s14], [sflag:$0x1] =	stream.indirect.gather [hbm4b:s5+s6], $0x40, s13, s6, $0xb8;
	[tilespmem:$0x9240] =	vst v63  }
0x3a: {  	_ = 	snop  }
0x3b: {  	[tilespmem:s16], [sflag:$0x1] =	stream.indirect.gather [hbm4b:s5+s6], $0x40, s15, s6, $0xb8;
	[tilespmem:$0x9240] =	vst v63  }
0x3c: {  	_ =	swait.ge [sflag:s17], $0x1800  }
0x3d: {  	[sflag:s17] =	ssyncset.done $0x0  }
0x3e: {  	[sflag:s17] =	ssyncadd.s32 $0xFFFFE800  }
0x3f: {  	_ =	swait.ge [sflag:s17], $0x1800  }
0x40: {  	[sflag:s17] =	ssyncset.done $0x0  }
0x41: {  	[sflag:s17] =	ssyncadd.s32 $0xFFFFE800  }
0x42: {  	_ =	swait.ge [sflag:s17], $0x1800  }
0x43: {  	[sflag:s17] =	ssyncset.done $0x0  }
0x44: {  	[sflag:s17] =	ssyncadd.s32 $0xFFFFE800  }
0x45: {  	_ =	swait.ge [sflag:s17], $0x1800  }
0x46: {  	[sflag:s17] =	ssyncset.done $0x0  }
0x47: {  	[sflag:s17] =	ssyncadd.s32 $0xFFFFE800  }
0x48: {  	_ =	swait.ge [sflag:s17], $0x1800  }
0x49: {  	[sflag:s17] =	ssyncset.done $0x0  }
0x4a: {  	[sflag:s17] =	ssyncadd.s32 $0xFFFFE800  }
0x4b: {  	_ =	swait.ge [sflag:s17], $0x1800  }
.Ltmp1:
0x4c: {  	[sflag:s17] =	ssyncset.done $0x0;
	(pc) =	sbr.rel @p0 .LBB2_1-.Ltmp1, $4  }
0x4d: {  	[sflag:s17] =	ssyncadd.s32 $0xFFFFE800  }
0x4e: {  	[hbm4b:s18+s2] =	stream.linear.scatter [tilespmem:s7], [sflag:$0x2], $0x9000, $0x38;
	[tilespmem:$0x9240] =	vst v63  }
0x4f: {  	_ =	swait.ge [sflag:s3], $0x9000  }
0x50: {  	[sflag:s3] =	ssyncset.done $0x0  }
.LBB2_2:
0x51: {  	[sflag:s3] =	ssyncadd.s32 $0xFFFF7000  }
0x52: {  	_ =	sfence.sel $0x180000  }
0x53: {  	[bflag:$0x0] =	sbarrier.arrive $0xFFFF  }
0x54: {  	p0 =	sne.s32 s0, $0x0;
	_ =	strace $0x90000047  }
0x55: {  	s0 =	sadd.s32 @!p0 $0x100000, s1;
	[bflag:$0x2] =	sbarrier.arrive $0xFFFF  }
0x56: {  	[sflag:s0] =	ssyncadd.tile.s32 @!p0 $0x1;
	_ =	shalt  }
.Lfunc_end2:
_tile_overlayer_lowered:
.L_overlay_start_2:
0x57: {  	(tag) =	ssettag $0x2  }
0x58: {  	s0 =	rddreg [dreg:$0x0];
	s2 =	stileid.u32  }
0x59: {  	s1 =	rddreg [dreg:$0x1];
	p0 =	sne.s32 s2, $0x0  }
0x5a: {  	s3 =	rddreg [dreg:$0x2];
	[bflag:$0x3] =	sbarrier.arrive $0xFFFF;
	s2 =	simm.s32 @!p0 $0x1C02  }
0x5b: {  	[timem:s3], [sflag:s2] =	dma.local @!p0 [hbm:s0], s1  }
0x5c: {  	s0 =	simm.s32 @!p0 $0x2  }
0x5d: {  	_ =	swait.ge @!p0 [sflag:s0], s1  }
0x5e: {  	s1 =	ssub.s32 @!p0 $0x0, s1;
	[sflag:s0] =	ssyncset.done @!p0 $0x0  }
0x5f: {  	[sflag:s0] =	ssyncadd.s32 @!p0 s1  }
0x60: {  	[bflag:$0x3] =	sbarrier.arrive $0xFFFF  }
0x61: {  	_ =	shalt  }

</sc_bundles>
